<compile_context>
chip_gen: v7x
topology: tpu7x:2x2x1
jax: 0.10.2.dev20260603
libtpu: 0.0.44.dev20260713+nightly
codegen_flags: <defaults>
</compile_context>

<pallas_src>
import functools

import jax
import jax.numpy as jnp
from jax import lax
from jax.experimental import pallas as pl
from jax.experimental.pallas import tpu as pltpu
from jax.experimental.pallas import tpu_sc as plsc

D_MODEL = 1024
SEQ_LEN = 4096

_NC = 2
_NS = 16
_NW = _NC * _NS
_B_PER_W = SEQ_LEN // _NW
_CHUNK = 32
_NCHUNK = _B_PER_W // _CHUNK
_NBUF = 3


def _embed_body(table_hbm, idx_hbm, out_hbm, idx_v,
                b0, b1, b2, sg0, sg1, sg2, ss0, ss1, ss2):
    bufs = (b0, b1, b2)
    sgs = (sg0, sg1, sg2)
    sss = (ss0, ss1, ss2)
    wid = lax.axis_index("s") * _NC + lax.axis_index("c")
    base = wid * _B_PER_W
    idx_copies = [
        pltpu.async_copy(
            idx_hbm.at[pl.ds(base + c * _CHUNK, _CHUNK)], idx_v.at[c], sg0)
        for c in range(_NCHUNK)
    ]
    for cp in idx_copies:
        cp.wait()

    def start_g(c):
        return pltpu.async_copy(
            table_hbm.at[idx_v.at[c]], bufs[c % _NBUF], sgs[c % _NBUF])

    def start_s(c):
        return pltpu.async_copy(
            bufs[c % _NBUF],
            out_hbm.at[pl.ds(base + c * _CHUNK, _CHUNK)], sss[c % _NBUF])

    gathers = [start_g(c) for c in range(_NBUF)]
    scatters = [None] * _NCHUNK
    for c in range(_NCHUNK):
        gathers[c].wait()
        scatters[c] = start_s(c)
        if c + _NBUF < _NCHUNK:
            scatters[c].wait()
            gathers.append(start_g(c + _NBUF))
    for c in range(_NCHUNK):
        if c + _NBUF >= _NCHUNK:
            scatters[c].wait()


_embed = functools.partial(
    pl.kernel,
    mesh=plsc.VectorSubcoreMesh(core_axis_name="c", subcore_axis_name="s"),
    out_type=jax.ShapeDtypeStruct((SEQ_LEN, D_MODEL), jnp.float32),
    scratch_types=(
        [pltpu.VMEM((_NCHUNK, _CHUNK), jnp.int32)]
        + [pltpu.VMEM((_CHUNK, D_MODEL), jnp.float32) for _ in range(_NBUF)]
        + [pltpu.SemaphoreType.DMA for _ in range(2 * _NBUF)]
    ),
)(_embed_body)


@jax.jit
def kernel(tokens, W_E):
    return _embed(W_E, tokens.astype(jnp.int32))

# --- scband reference (transcript-rebuilt; emitter-appended) ---
"""Pipeline reference for scband-embed-83090437308672 (READ-ONLY COPY).

The authoritative reference and input builder live on the scoring server;
editing this copy changes nothing except your own understanding.
"""

import jax, jax.numpy as jnp
import numpy as np

D_VOCAB = 100000
D_MODEL = 1024
SEQ_LEN = 4096

def setup_inputs(seed: int = 0) -> dict:
    key = jax.random.key(seed)
    k_tok, k_w = jax.random.split(key)
    tokens = jax.random.randint(k_tok, (SEQ_LEN,), 0, D_VOCAB, dtype=jnp.int64) if jax.config.jax_enable_x64 else jax.random.randint(k_tok, (SEQ_LEN,), 0, D_VOCAB, dtype=jnp.int32)
    W_E = jax.random.normal(k_w, (D_VOCAB, D_MODEL), dtype=jnp.float32) * 0.02
    return {"tokens": tokens, "W_E": W_E}

def reference(tokens, W_E):
    # Faithful translation of Embed.__call__: embed = W_E[tokens]
    # HookPoint is an identity passthrough when no hook_state is provided.
    embed = jnp.take(W_E, tokens, axis=0)
    return embed

if __name__ == "__main__":
    import jax
    _d = setup_inputs()
    print(jax.jit(kernel)(*tuple(_d.values())))

</pallas_src>

<mosaic_0001>
#map = affine_map<(d0, d1) -> (0, 0)>
#map1 = affine_map<(d0, d1) -> (0)>
module attributes {stable_mosaic.version = 14 : i64} {
  func.func @_embed_body(%arg0: i32, %arg1: i32, %arg2: memref<100000x1024xf32, #tpu.memory_space<hbm>>, %arg3: memref<4096xi32, #tpu.memory_space<hbm>>, %arg4: memref<4096x1024xf32, #tpu.memory_space<hbm>>, %arg5: memref<4x32xi32, #tpu.memory_space<vmem>>, %arg6: memref<32x1024xf32, #tpu.memory_space<vmem>>, %arg7: memref<32x1024xf32, #tpu.memory_space<vmem>>, %arg8: memref<32x1024xf32, #tpu.memory_space<vmem>>, %arg9: memref<!tpu.dma_semaphore, #tpu.memory_space<semaphore_mem>>, %arg10: memref<!tpu.dma_semaphore, #tpu.memory_space<semaphore_mem>>, %arg11: memref<!tpu.dma_semaphore, #tpu.memory_space<semaphore_mem>>, %arg12: memref<!tpu.dma_semaphore, #tpu.memory_space<semaphore_mem>>, %arg13: memref<!tpu.dma_semaphore, #tpu.memory_space<semaphore_mem>>, %arg14: memref<!tpu.dma_semaphore, #tpu.memory_space<semaphore_mem>>) attributes {dimension_semantics = [#tpu.dimension_semantics<core_parallel>, #tpu.dimension_semantics<subcore_parallel>], iteration_bounds = array<i64: 2, 16>, scalar_prefetch = 0 : i64, scratch_operands = 10 : i64, tpu.core_type = #tpu.core_type<sc_vector_subcore>, window_params = [{transform_indices = #map}, {transform_indices = #map1}, {transform_indices = #map}]} {
    %mul3A = arith.constant 2 : i32
    %mul3A_0 = arith.muli %arg1, %mul3A : i32
    %add3A = arith.addi %mul3A_0, %arg0 : i32
    %mul3A_1 = arith.constant 128 : i32
    %mul3A_2 = arith.muli %add3A, %mul3A_1 : i32
    %add3A_3 = arith.constant 0 : i32
    %add3A_4 = arith.addi %mul3A_2, %add3A_3 : i32
    %dma_start3A = arith.constant 0 : i32
    %dma_start3A_5 = arith.constant 0 : i32
    %dma_start3A_6 = tpu.memref_slice %arg5[%dma_start3A, %dma_start3A_5] : memref<4x32xi32, #tpu.memory_space<vmem>> -> memref<1x32xi32, #tpu.memory_space<vmem>>
    %dma_start3A_7 = tpu.memref_squeeze %dma_start3A_6 : memref<1x32xi32, #tpu.memory_space<vmem>> -> memref<32xi32, #tpu.memory_space<vmem>>
    %dma_start3A_8 = tpu.memref_slice %arg3[%add3A_4] : memref<4096xi32, #tpu.memory_space<hbm>> -> memref<32xi32, #tpu.memory_space<hbm>>
    %dma_start3A_9 = arith.constant 0 : i32
    %dma_start3A_10 = tpu.memref_slice %arg5[%dma_start3A, %dma_start3A_9] : memref<4x32xi32, #tpu.memory_space<vmem>> -> memref<1x32xi32, #tpu.memory_space<vmem>>
    %dma_start3A_11 = tpu.memref_squeeze %dma_start3A_10 : memref<1x32xi32, #tpu.memory_space<vmem>> -> memref<32xi32, #tpu.memory_space<vmem>>
    %dma_start3A_12 = tpu.memref_slice %arg3[%add3A_4] : memref<4096xi32, #tpu.memory_space<hbm>> -> memref<32xi32, #tpu.memory_space<hbm>>
    tpu.enqueue_dma source(%dma_start3A_12 : memref<32xi32, #tpu.memory_space<hbm>>) target(%dma_start3A_11 : memref<32xi32, #tpu.memory_space<vmem>>) target_semaphore(%arg9 : memref<!tpu.dma_semaphore, #tpu.memory_space<semaphore_mem>>)
    %add3A_13 = arith.constant 32 : i32
    %add3A_14 = arith.addi %mul3A_2, %add3A_13 : i32
    %dma_start3A_15 = arith.constant 1 : i32
    %dma_start3A_16 = arith.constant 0 : i32
    %dma_start3A_17 = tpu.memref_slice %arg5[%dma_start3A_15, %dma_start3A_16] : memref<4x32xi32, #tpu.memory_space<vmem>> -> memref<1x32xi32, #tpu.memory_space<vmem>>
    %dma_start3A_18 = tpu.memref_squeeze %dma_start3A_17 : memref<1x32xi32, #tpu.memory_space<vmem>> -> memref<32xi32, #tpu.memory_space<vmem>>
    %dma_start3A_19 = tpu.memref_slice %arg3[%add3A_14] : memref<4096xi32, #tpu.memory_space<hbm>> -> memref<32xi32, #tpu.memory_space<hbm>>
    %dma_start3A_20 = arith.constant 0 : i32
    %dma_start3A_21 = tpu.memref_slice %arg5[%dma_start3A_15, %dma_start3A_20] : memref<4x32xi32, #tpu.memory_space<vmem>> -> memref<1x32xi32, #tpu.memory_space<vmem>>
    %dma_start3A_22 = tpu.memref_squeeze %dma_start3A_21 : memref<1x32xi32, #tpu.memory_space<vmem>> -> memref<32xi32, #tpu.memory_space<vmem>>
    %dma_start3A_23 = tpu.memref_slice %arg3[%add3A_14] : memref<4096xi32, #tpu.memory_space<hbm>> -> memref<32xi32, #tpu.memory_space<hbm>>
    tpu.enqueue_dma source(%dma_start3A_23 : memref<32xi32, #tpu.memory_space<hbm>>) target(%dma_start3A_22 : memref<32xi32, #tpu.memory_space<vmem>>) target_semaphore(%arg9 : memref<!tpu.dma_semaphore, #tpu.memory_space<semaphore_mem>>)
    %add3A_24 = arith.constant 64 : i32
    %add3A_25 = arith.addi %mul3A_2, %add3A_24 : i32
    %dma_start3A_26 = arith.constant 2 : i32
    %dma_start3A_27 = arith.constant 0 : i32
    %dma_start3A_28 = tpu.memref_slice %arg5[%dma_start3A_26, %dma_start3A_27] : memref<4x32xi32, #tpu.memory_space<vmem>> -> memref<1x32xi32, #tpu.memory_space<vmem>>
    %dma_start3A_29 = tpu.memref_squeeze %dma_start3A_28 : memref<1x32xi32, #tpu.memory_space<vmem>> -> memref<32xi32, #tpu.memory_space<vmem>>
    %dma_start3A_30 = tpu.memref_slice %arg3[%add3A_25] : memref<4096xi32, #tpu.memory_space<hbm>> -> memref<32xi32, #tpu.memory_space<hbm>>
    %dma_start3A_31 = arith.constant 0 : i32
    %dma_start3A_32 = tpu.memref_slice %arg5[%dma_start3A_26, %dma_start3A_31] : memref<4x32xi32, #tpu.memory_space<vmem>> -> memref<1x32xi32, #tpu.memory_space<vmem>>
    %dma_start3A_33 = tpu.memref_squeeze %dma_start3A_32 : memref<1x32xi32, #tpu.memory_space<vmem>> -> memref<32xi32, #tpu.memory_space<vmem>>
    %dma_start3A_34 = tpu.memref_slice %arg3[%add3A_25] : memref<4096xi32, #tpu.memory_space<hbm>> -> memref<32xi32, #tpu.memory_space<hbm>>
    tpu.enqueue_dma source(%dma_start3A_34 : memref<32xi32, #tpu.memory_space<hbm>>) target(%dma_start3A_33 : memref<32xi32, #tpu.memory_space<vmem>>) target_semaphore(%arg9 : memref<!tpu.dma_semaphore, #tpu.memory_space<semaphore_mem>>)
    %add3A_35 = arith.constant 96 : i32
    %add3A_36 = arith.addi %mul3A_2, %add3A_35 : i32
    %dma_start3A_37 = arith.constant 3 : i32
    %dma_start3A_38 = arith.constant 0 : i32
    %dma_start3A_39 = tpu.memref_slice %arg5[%dma_start3A_37, %dma_start3A_38] : memref<4x32xi32, #tpu.memory_space<vmem>> -> memref<1x32xi32, #tpu.memory_space<vmem>>
    %dma_start3A_40 = tpu.memref_squeeze %dma_start3A_39 : memref<1x32xi32, #tpu.memory_space<vmem>> -> memref<32xi32, #tpu.memory_space<vmem>>
    %dma_start3A_41 = tpu.memref_slice %arg3[%add3A_36] : memref<4096xi32, #tpu.memory_space<hbm>> -> memref<32xi32, #tpu.memory_space<hbm>>
    %dma_start3A_42 = arith.constant 0 : i32
    %dma_start3A_43 = tpu.memref_slice %arg5[%dma_start3A_37, %dma_start3A_42] : memref<4x32xi32, #tpu.memory_space<vmem>> -> memref<1x32xi32, #tpu.memory_space<vmem>>
    %dma_start3A_44 = tpu.memref_squeeze %dma_start3A_43 : memref<1x32xi32, #tpu.memory_space<vmem>> -> memref<32xi32, #tpu.memory_space<vmem>>
    %dma_start3A_45 = tpu.memref_slice %arg3[%add3A_36] : memref<4096xi32, #tpu.memory_space<hbm>> -> memref<32xi32, #tpu.memory_space<hbm>>
    tpu.enqueue_dma source(%dma_start3A_45 : memref<32xi32, #tpu.memory_space<hbm>>) target(%dma_start3A_44 : memref<32xi32, #tpu.memory_space<vmem>>) target_semaphore(%arg9 : memref<!tpu.dma_semaphore, #tpu.memory_space<semaphore_mem>>)
    %dma_wait3A = arith.constant 0 : i32
    %dma_wait3A_46 = arith.constant 0 : i32
    %dma_wait3A_47 = tpu.memref_slice %arg5[%dma_wait3A, %dma_wait3A_46] : memref<4x32xi32, #tpu.memory_space<vmem>> -> memref<1x32xi32, #tpu.memory_space<vmem>>
    %dma_wait3A_48 = tpu.memref_squeeze %dma_wait3A_47 : memref<1x32xi32, #tpu.memory_space<vmem>> -> memref<32xi32, #tpu.memory_space<vmem>>
    %dma_wait3A_49 = tpu.memref_slice %arg3[%add3A_4] : memref<4096xi32, #tpu.memory_space<hbm>> -> memref<32xi32, #tpu.memory_space<hbm>>
    %dma_wait3A_50 = arith.constant 0 : i32
    %dma_wait3A_51 = tpu.memref_slice %arg5[%dma_wait3A, %dma_wait3A_50] : memref<4x32xi32, #tpu.memory_space<vmem>> -> memref<1x32xi32, #tpu.memory_space<vmem>>
    %dma_wait3A_52 = tpu.memref_squeeze %dma_wait3A_51 : memref<1x32xi32, #tpu.memory_space<vmem>> -> memref<32xi32, #tpu.memory_space<vmem>>
    %dma_wait3A_53 = tpu.memref_slice %arg3[%add3A_4] : memref<4096xi32, #tpu.memory_space<hbm>> -> memref<32xi32, #tpu.memory_space<hbm>>
    tpu.wait_dma2 semaphore(%arg9 : memref<!tpu.dma_semaphore, #tpu.memory_space<semaphore_mem>>) src(%dma_wait3A_53 : memref<32xi32, #tpu.memory_space<hbm>>) dst(%dma_wait3A_52 : memref<32xi32, #tpu.memory_space<vmem>>)
    %dma_wait3A_54 = arith.constant 1 : i32
    %dma_wait3A_55 = arith.constant 0 : i32
    %dma_wait3A_56 = tpu.memref_slice %arg5[%dma_wait3A_54, %dma_wait3A_55] : memref<4x32xi32, #tpu.memory_space<vmem>> -> memref<1x32xi32, #tpu.memory_space<vmem>>
    %dma_wait3A_57 = tpu.memref_squeeze %dma_wait3A_56 : memref<1x32xi32, #tpu.memory_space<vmem>> -> memref<32xi32, #tpu.memory_space<vmem>>
    %dma_wait3A_58 = tpu.memref_slice %arg3[%add3A_14] : memref<4096xi32, #tpu.memory_space<hbm>> -> memref<32xi32, #tpu.memory_space<hbm>>
    %dma_wait3A_59 = arith.constant 0 : i32
    %dma_wait3A_60 = tpu.memref_slice %arg5[%dma_wait3A_54, %dma_wait3A_59] : memref<4x32xi32, #tpu.memory_space<vmem>> -> memref<1x32xi32, #tpu.memory_space<vmem>>
    %dma_wait3A_61 = tpu.memref_squeeze %dma_wait3A_60 : memref<1x32xi32, #tpu.memory_space<vmem>> -> memref<32xi32, #tpu.memory_space<vmem>>
    %dma_wait3A_62 = tpu.memref_slice %arg3[%add3A_14] : memref<4096xi32, #tpu.memory_space<hbm>> -> memref<32xi32, #tpu.memory_space<hbm>>
    tpu.wait_dma2 semaphore(%arg9 : memref<!tpu.dma_semaphore, #tpu.memory_space<semaphore_mem>>) src(%dma_wait3A_62 : memref<32xi32, #tpu.memory_space<hbm>>) dst(%dma_wait3A_61 : memref<32xi32, #tpu.memory_space<vmem>>)
    %dma_wait3A_63 = arith.constant 2 : i32
    %dma_wait3A_64 = arith.constant 0 : i32
    %dma_wait3A_65 = tpu.memref_slice %arg5[%dma_wait3A_63, %dma_wait3A_64] : memref<4x32xi32, #tpu.memory_space<vmem>> -> memref<1x32xi32, #tpu.memory_space<vmem>>
    %dma_wait3A_66 = tpu.memref_squeeze %dma_wait3A_65 : memref<1x32xi32, #tpu.memory_space<vmem>> -> memref<32xi32, #tpu.memory_space<vmem>>
    %dma_wait3A_67 = tpu.memref_slice %arg3[%add3A_25] : memref<4096xi32, #tpu.memory_space<hbm>> -> memref<32xi32, #tpu.memory_space<hbm>>
    %dma_wait3A_68 = arith.constant 0 : i32
    %dma_wait3A_69 = tpu.memref_slice %arg5[%dma_wait3A_63, %dma_wait3A_68] : memref<4x32xi32, #tpu.memory_space<vmem>> -> memref<1x32xi32, #tpu.memory_space<vmem>>
    %dma_wait3A_70 = tpu.memref_squeeze %dma_wait3A_69 : memref<1x32xi32, #tpu.memory_space<vmem>> -> memref<32xi32, #tpu.memory_space<vmem>>
    %dma_wait3A_71 = tpu.memref_slice %arg3[%add3A_25] : memref<4096xi32, #tpu.memory_space<hbm>> -> memref<32xi32, #tpu.memory_space<hbm>>
    tpu.wait_dma2 semaphore(%arg9 : memref<!tpu.dma_semaphore, #tpu.memory_space<semaphore_mem>>) src(%dma_wait3A_71 : memref<32xi32, #tpu.memory_space<hbm>>) dst(%dma_wait3A_70 : memref<32xi32, #tpu.memory_space<vmem>>)
    %dma_wait3A_72 = arith.constant 3 : i32
    %dma_wait3A_73 = arith.constant 0 : i32
    %dma_wait3A_74 = tpu.memref_slice %arg5[%dma_wait3A_72, %dma_wait3A_73] : memref<4x32xi32, #tpu.memory_space<vmem>> -> memref<1x32xi32, #tpu.memory_space<vmem>>
    %dma_wait3A_75 = tpu.memref_squeeze %dma_wait3A_74 : memref<1x32xi32, #tpu.memory_space<vmem>> -> memref<32xi32, #tpu.memory_space<vmem>>
    %dma_wait3A_76 = tpu.memref_slice %arg3[%add3A_36] : memref<4096xi32, #tpu.memory_space<hbm>> -> memref<32xi32, #tpu.memory_space<hbm>>
    %dma_wait3A_77 = arith.constant 0 : i32
    %dma_wait3A_78 = tpu.memref_slice %arg5[%dma_wait3A_72, %dma_wait3A_77] : memref<4x32xi32, #tpu.memory_space<vmem>> -> memref<1x32xi32, #tpu.memory_space<vmem>>
    %dma_wait3A_79 = tpu.memref_squeeze %dma_wait3A_78 : memref<1x32xi32, #tpu.memory_space<vmem>> -> memref<32xi32, #tpu.memory_space<vmem>>
    %dma_wait3A_80 = tpu.memref_slice %arg3[%add3A_36] : memref<4096xi32, #tpu.memory_space<hbm>> -> memref<32xi32, #tpu.memory_space<hbm>>
    tpu.wait_dma2 semaphore(%arg9 : memref<!tpu.dma_semaphore, #tpu.memory_space<semaphore_mem>>) src(%dma_wait3A_80 : memref<32xi32, #tpu.memory_space<hbm>>) dst(%dma_wait3A_79 : memref<32xi32, #tpu.memory_space<vmem>>)
    %dma_start3A_81 = arith.constant 0 : i32
    %dma_start3A_82 = arith.constant 0 : i32
    %dma_start3A_83 = tpu.memref_slice %arg5[%dma_start3A_81, %dma_start3A_82] : memref<4x32xi32, #tpu.memory_space<vmem>> -> memref<1x32xi32, #tpu.memory_space<vmem>>
    %dma_start3A_84 = tpu.memref_squeeze %dma_start3A_83 : memref<1x32xi32, #tpu.memory_space<vmem>> -> memref<32xi32, #tpu.memory_space<vmem>>
    %dma_start3A_85 = arith.constant 0 : i32
    %dma_start3A_86 = arith.constant 0 : i32
    %dma_start3A_87 = tpu.memref_slice %arg2[%dma_start3A_85, %dma_start3A_86] : memref<100000x1024xf32, #tpu.memory_space<hbm>> -> memref<100000x1024xf32, #tpu.memory_space<hbm>>
    tpu.enqueue_indirect_dma source(%dma_start3A_87 : memref<100000x1024xf32, #tpu.memory_space<hbm>>) target(%arg6 : memref<32x1024xf32, #tpu.memory_space<vmem>>) offsets(%dma_start3A_84 : memref<32xi32, #tpu.memory_space<vmem>>) semaphore(%arg9 : memref<!tpu.dma_semaphore, #tpu.memory_space<semaphore_mem>>)
    %dma_start3A_88 = arith.constant 1 : i32
    %dma_start3A_89 = arith.constant 0 : i32
    %dma_start3A_90 = tpu.memref_slice %arg5[%dma_start3A_88, %dma_start3A_89] : memref<4x32xi32, #tpu.memory_space<vmem>> -> memref<1x32xi32, #tpu.memory_space<vmem>>
    %dma_start3A_91 = tpu.memref_squeeze %dma_start3A_90 : memref<1x32xi32, #tpu.memory_space<vmem>> -> memref<32xi32, #tpu.memory_space<vmem>>
    %dma_start3A_92 = arith.constant 0 : i32
    %dma_start3A_93 = arith.constant 0 : i32
    %dma_start3A_94 = tpu.memref_slice %arg2[%dma_start3A_92, %dma_start3A_93] : memref<100000x1024xf32, #tpu.memory_space<hbm>> -> memref<100000x1024xf32, #tpu.memory_space<hbm>>
    tpu.enqueue_indirect_dma source(%dma_start3A_94 : memref<100000x1024xf32, #tpu.memory_space<hbm>>) target(%arg7 : memref<32x1024xf32, #tpu.memory_space<vmem>>) offsets(%dma_start3A_91 : memref<32xi32, #tpu.memory_space<vmem>>) semaphore(%arg10 : memref<!tpu.dma_semaphore, #tpu.memory_space<semaphore_mem>>)
    %dma_start3A_95 = arith.constant 2 : i32
    %dma_start3A_96 = arith.constant 0 : i32
    %dma_start3A_97 = tpu.memref_slice %arg5[%dma_start3A_95, %dma_start3A_96] : memref<4x32xi32, #tpu.memory_space<vmem>> -> memref<1x32xi32, #tpu.memory_space<vmem>>
    %dma_start3A_98 = tpu.memref_squeeze %dma_start3A_97 : memref<1x32xi32, #tpu.memory_space<vmem>> -> memref<32xi32, #tpu.memory_space<vmem>>
    %dma_start3A_99 = arith.constant 0 : i32
    %dma_start3A_100 = arith.constant 0 : i32
    %dma_start3A_101 = tpu.memref_slice %arg2[%dma_start3A_99, %dma_start3A_100] : memref<100000x1024xf32, #tpu.memory_space<hbm>> -> memref<100000x1024xf32, #tpu.memory_space<hbm>>
    tpu.enqueue_indirect_dma source(%dma_start3A_101 : memref<100000x1024xf32, #tpu.memory_space<hbm>>) target(%arg8 : memref<32x1024xf32, #tpu.memory_space<vmem>>) offsets(%dma_start3A_98 : memref<32xi32, #tpu.memory_space<vmem>>) semaphore(%arg11 : memref<!tpu.dma_semaphore, #tpu.memory_space<semaphore_mem>>)
    %dma_wait3A_102 = arith.constant 0 : i32
    %dma_wait3A_103 = arith.constant 0 : i32
    %dma_wait3A_104 = tpu.memref_slice %arg5[%dma_wait3A_102, %dma_wait3A_103] : memref<4x32xi32, #tpu.memory_space<vmem>> -> memref<1x32xi32, #tpu.memory_space<vmem>>
    %dma_wait3A_105 = tpu.memref_squeeze %dma_wait3A_104 : memref<1x32xi32, #tpu.memory_space<vmem>> -> memref<32xi32, #tpu.memory_space<vmem>>
    %dma_wait3A_106 = arith.constant 0 : i32
    %dma_wait3A_107 = arith.constant 0 : i32
    %dma_wait3A_108 = tpu.memref_slice %arg2[%dma_wait3A_106, %dma_wait3A_107] : memref<100000x1024xf32, #tpu.memory_space<hbm>> -> memref<100000x1024xf32, #tpu.memory_space<hbm>>
    tpu.wait_indirect_dma semaphore(%arg9 : memref<!tpu.dma_semaphore, #tpu.memory_space<semaphore_mem>>) src(%dma_wait3A_108 : memref<100000x1024xf32, #tpu.memory_space<hbm>>) dst(%arg6 : memref<32x1024xf32, #tpu.memory_space<vmem>>)
    %add3A_109 = arith.constant 0 : i32
    %add3A_110 = arith.addi %mul3A_2, %add3A_109 : i32
    %dma_start3A_111 = arith.constant 0 : i32
    %dma_start3A_112 = tpu.memref_slice %arg4[%add3A_110, %dma_start3A_111] : memref<4096x1024xf32, #tpu.memory_space<hbm>> -> memref<32x1024xf32, #tpu.memory_space<hbm>>
    %dma_start3A_113 = arith.constant 0 : i32
    %dma_start3A_114 = tpu.memref_slice %arg4[%add3A_110, %dma_start3A_113] : memref<4096x1024xf32, #tpu.memory_space<hbm>> -> memref<32x1024xf32, #tpu.memory_space<hbm>>
    tpu.enqueue_dma source(%arg6 : memref<32x1024xf32, #tpu.memory_space<vmem>>) target(%dma_start3A_114 : memref<32x1024xf32, #tpu.memory_space<hbm>>) target_semaphore(%arg12 : memref<!tpu.dma_semaphore, #tpu.memory_space<semaphore_mem>>)
    %dma_wait3A_115 = arith.constant 0 : i32
    %dma_wait3A_116 = tpu.memref_slice %arg4[%add3A_110, %dma_wait3A_115] : memref<4096x1024xf32, #tpu.memory_space<hbm>> -> memref<32x1024xf32, #tpu.memory_space<hbm>>
    %dma_wait3A_117 = arith.constant 0 : i32
    %dma_wait3A_118 = tpu.memref_slice %arg4[%add3A_110, %dma_wait3A_117] : memref<4096x1024xf32, #tpu.memory_space<hbm>> -> memref<32x1024xf32, #tpu.memory_space<hbm>>
    tpu.wait_dma2 semaphore(%arg12 : memref<!tpu.dma_semaphore, #tpu.memory_space<semaphore_mem>>) src(%arg6 : memref<32x1024xf32, #tpu.memory_space<vmem>>) dst(%dma_wait3A_118 : memref<32x1024xf32, #tpu.memory_space<hbm>>)
    %dma_start3A_119 = arith.constant 3 : i32
    %dma_start3A_120 = arith.constant 0 : i32
    %dma_start3A_121 = tpu.memref_slice %arg5[%dma_start3A_119, %dma_start3A_120] : memref<4x32xi32, #tpu.memory_space<vmem>> -> memref<1x32xi32, #tpu.memory_space<vmem>>
    %dma_start3A_122 = tpu.memref_squeeze %dma_start3A_121 : memref<1x32xi32, #tpu.memory_space<vmem>> -> memref<32xi32, #tpu.memory_space<vmem>>
    %dma_start3A_123 = arith.constant 0 : i32
    %dma_start3A_124 = arith.constant 0 : i32
    %dma_start3A_125 = tpu.memref_slice %arg2[%dma_start3A_123, %dma_start3A_124] : memref<100000x1024xf32, #tpu.memory_space<hbm>> -> memref<100000x1024xf32, #tpu.memory_space<hbm>>
    tpu.enqueue_indirect_dma source(%dma_start3A_125 : memref<100000x1024xf32, #tpu.memory_space<hbm>>) target(%arg6 : memref<32x1024xf32, #tpu.memory_space<vmem>>) offsets(%dma_start3A_122 : memref<32xi32, #tpu.memory_space<vmem>>) semaphore(%arg9 : memref<!tpu.dma_semaphore, #tpu.memory_space<semaphore_mem>>)
    %dma_wait3A_126 = arith.constant 1 : i32
    %dma_wait3A_127 = arith.constant 0 : i32
    %dma_wait3A_128 = tpu.memref_slice %arg5[%dma_wait3A_126, %dma_wait3A_127] : memref<4x32xi32, #tpu.memory_space<vmem>> -> memref<1x32xi32, #tpu.memory_space<vmem>>
    %dma_wait3A_129 = tpu.memref_squeeze %dma_wait3A_128 : memref<1x32xi32, #tpu.memory_space<vmem>> -> memref<32xi32, #tpu.memory_space<vmem>>
    %dma_wait3A_130 = arith.constant 0 : i32
    %dma_wait3A_131 = arith.constant 0 : i32
    %dma_wait3A_132 = tpu.memref_slice %arg2[%dma_wait3A_130, %dma_wait3A_131] : memref<100000x1024xf32, #tpu.memory_space<hbm>> -> memref<100000x1024xf32, #tpu.memory_space<hbm>>
    tpu.wait_indirect_dma semaphore(%arg10 : memref<!tpu.dma_semaphore, #tpu.memory_space<semaphore_mem>>) src(%dma_wait3A_132 : memref<100000x1024xf32, #tpu.memory_space<hbm>>) dst(%arg7 : memref<32x1024xf32, #tpu.memory_space<vmem>>)
    %add3A_133 = arith.constant 32 : i32
    %add3A_134 = arith.addi %mul3A_2, %add3A_133 : i32
    %dma_start3A_135 = arith.constant 0 : i32
    %dma_start3A_136 = tpu.memref_slice %arg4[%add3A_134, %dma_start3A_135] : memref<4096x1024xf32, #tpu.memory_space<hbm>> -> memref<32x1024xf32, #tpu.memory_space<hbm>>
    %dma_start3A_137 = arith.constant 0 : i32
    %dma_start3A_138 = tpu.memref_slice %arg4[%add3A_134, %dma_start3A_137] : memref<4096x1024xf32, #tpu.memory_space<hbm>> -> memref<32x1024xf32, #tpu.memory_space<hbm>>
    tpu.enqueue_dma source(%arg7 : memref<32x1024xf32, #tpu.memory_space<vmem>>) target(%dma_start3A_138 : memref<32x1024xf32, #tpu.memory_space<hbm>>) target_semaphore(%arg13 : memref<!tpu.dma_semaphore, #tpu.memory_space<semaphore_mem>>)
    %dma_wait3A_139 = arith.constant 2 : i32
    %dma_wait3A_140 = arith.constant 0 : i32
    %dma_wait3A_141 = tpu.memref_slice %arg5[%dma_wait3A_139, %dma_wait3A_140] : memref<4x32xi32, #tpu.memory_space<vmem>> -> memref<1x32xi32, #tpu.memory_space<vmem>>
    %dma_wait3A_142 = tpu.memref_squeeze %dma_wait3A_141 : memref<1x32xi32, #tpu.memory_space<vmem>> -> memref<32xi32, #tpu.memory_space<vmem>>
    %dma_wait3A_143 = arith.constant 0 : i32
    %dma_wait3A_144 = arith.constant 0 : i32
    %dma_wait3A_145 = tpu.memref_slice %arg2[%dma_wait3A_143, %dma_wait3A_144] : memref<100000x1024xf32, #tpu.memory_space<hbm>> -> memref<100000x1024xf32, #tpu.memory_space<hbm>>
    tpu.wait_indirect_dma semaphore(%arg11 : memref<!tpu.dma_semaphore, #tpu.memory_space<semaphore_mem>>) src(%dma_wait3A_145 : memref<100000x1024xf32, #tpu.memory_space<hbm>>) dst(%arg8 : memref<32x1024xf32, #tpu.memory_space<vmem>>)
    %add3A_146 = arith.constant 64 : i32
    %add3A_147 = arith.addi %mul3A_2, %add3A_146 : i32
    %dma_start3A_148 = arith.constant 0 : i32
    %dma_start3A_149 = tpu.memref_slice %arg4[%add3A_147, %dma_start3A_148] : memref<4096x1024xf32, #tpu.memory_space<hbm>> -> memref<32x1024xf32, #tpu.memory_space<hbm>>
    %dma_start3A_150 = arith.constant 0 : i32
    %dma_start3A_151 = tpu.memref_slice %arg4[%add3A_147, %dma_start3A_150] : memref<4096x1024xf32, #tpu.memory_space<hbm>> -> memref<32x1024xf32, #tpu.memory_space<hbm>>
    tpu.enqueue_dma source(%arg8 : memref<32x1024xf32, #tpu.memory_space<vmem>>) target(%dma_start3A_151 : memref<32x1024xf32, #tpu.memory_space<hbm>>) target_semaphore(%arg14 : memref<!tpu.dma_semaphore, #tpu.memory_space<semaphore_mem>>)
    %dma_wait3A_152 = arith.constant 3 : i32
    %dma_wait3A_153 = arith.constant 0 : i32
    %dma_wait3A_154 = tpu.memref_slice %arg5[%dma_wait3A_152, %dma_wait3A_153] : memref<4x32xi32, #tpu.memory_space<vmem>> -> memref<1x32xi32, #tpu.memory_space<vmem>>
    %dma_wait3A_155 = tpu.memref_squeeze %dma_wait3A_154 : memref<1x32xi32, #tpu.memory_space<vmem>> -> memref<32xi32, #tpu.memory_space<vmem>>
    %dma_wait3A_156 = arith.constant 0 : i32
    %dma_wait3A_157 = arith.constant 0 : i32
    %dma_wait3A_158 = tpu.memref_slice %arg2[%dma_wait3A_156, %dma_wait3A_157] : memref<100000x1024xf32, #tpu.memory_space<hbm>> -> memref<100000x1024xf32, #tpu.memory_space<hbm>>
    tpu.wait_indirect_dma semaphore(%arg9 : memref<!tpu.dma_semaphore, #tpu.memory_space<semaphore_mem>>) src(%dma_wait3A_158 : memref<100000x1024xf32, #tpu.memory_space<hbm>>) dst(%arg6 : memref<32x1024xf32, #tpu.memory_space<vmem>>)
    %add3A_159 = arith.constant 96 : i32
    %add3A_160 = arith.addi %mul3A_2, %add3A_159 : i32
    %dma_start3A_161 = arith.constant 0 : i32
    %dma_start3A_162 = tpu.memref_slice %arg4[%add3A_160, %dma_start3A_161] : memref<4096x1024xf32, #tpu.memory_space<hbm>> -> memref<32x1024xf32, #tpu.memory_space<hbm>>
    %dma_start3A_163 = arith.constant 0 : i32
    %dma_start3A_164 = tpu.memref_slice %arg4[%add3A_160, %dma_start3A_163] : memref<4096x1024xf32, #tpu.memory_space<hbm>> -> memref<32x1024xf32, #tpu.memory_space<hbm>>
    tpu.enqueue_dma source(%arg6 : memref<32x1024xf32, #tpu.memory_space<vmem>>) target(%dma_start3A_164 : memref<32x1024xf32, #tpu.memory_space<hbm>>) target_semaphore(%arg12 : memref<!tpu.dma_semaphore, #tpu.memory_space<semaphore_mem>>)
    %dma_wait3A_165 = arith.constant 0 : i32
    %dma_wait3A_166 = tpu.memref_slice %arg4[%add3A_134, %dma_wait3A_165] : memref<4096x1024xf32, #tpu.memory_space<hbm>> -> memref<32x1024xf32, #tpu.memory_space<hbm>>
    %dma_wait3A_167 = arith.constant 0 : i32
    %dma_wait3A_168 = tpu.memref_slice %arg4[%add3A_134, %dma_wait3A_167] : memref<4096x1024xf32, #tpu.memory_space<hbm>> -> memref<32x1024xf32, #tpu.memory_space<hbm>>
    tpu.wait_dma2 semaphore(%arg13 : memref<!tpu.dma_semaphore, #tpu.memory_space<semaphore_mem>>) src(%arg7 : memref<32x1024xf32, #tpu.memory_space<vmem>>) dst(%dma_wait3A_168 : memref<32x1024xf32, #tpu.memory_space<hbm>>)
    %dma_wait3A_169 = arith.constant 0 : i32
    %dma_wait3A_170 = tpu.memref_slice %arg4[%add3A_147, %dma_wait3A_169] : memref<4096x1024xf32, #tpu.memory_space<hbm>> -> memref<32x1024xf32, #tpu.memory_space<hbm>>
    %dma_wait3A_171 = arith.constant 0 : i32
    %dma_wait3A_172 = tpu.memref_slice %arg4[%add3A_147, %dma_wait3A_171] : memref<4096x1024xf32, #tpu.memory_space<hbm>> -> memref<32x1024xf32, #tpu.memory_space<hbm>>
    tpu.wait_dma2 semaphore(%arg14 : memref<!tpu.dma_semaphore, #tpu.memory_space<semaphore_mem>>) src(%arg8 : memref<32x1024xf32, #tpu.memory_space<vmem>>) dst(%dma_wait3A_172 : memref<32x1024xf32, #tpu.memory_space<hbm>>)
    %dma_wait3A_173 = arith.constant 0 : i32
    %dma_wait3A_174 = tpu.memref_slice %arg4[%add3A_160, %dma_wait3A_173] : memref<4096x1024xf32, #tpu.memory_space<hbm>> -> memref<32x1024xf32, #tpu.memory_space<hbm>>
    %dma_wait3A_175 = arith.constant 0 : i32
    %dma_wait3A_176 = tpu.memref_slice %arg4[%add3A_160, %dma_wait3A_175] : memref<4096x1024xf32, #tpu.memory_space<hbm>> -> memref<32x1024xf32, #tpu.memory_space<hbm>>
    tpu.wait_dma2 semaphore(%arg12 : memref<!tpu.dma_semaphore, #tpu.memory_space<semaphore_mem>>) src(%arg6 : memref<32x1024xf32, #tpu.memory_space<vmem>>) dst(%dma_wait3A_176 : memref<32x1024xf32, #tpu.memory_space<hbm>>)
    return
  }
}

</mosaic_0001>

<sc_bundles>
// kernel: kernel.3.cloned.1.call-start
scs
__scs_entry_jumppad:
0x0: {  	(pc) =	sbr.rel $0x88, $3  }
0x1: {  	(tag) =	ssettag $0x0;
	lr =	simm.s32 $0x1  }
0x2: {  	[smem:$0x3F9F] =	sst lr;
	_ =	strace $0xD0000000  }
0x3: {  	_ = 	snop  }
0x4: {  	_ = 	snop  }
0x5: {  	_ = 	snop  }
0x6: {  	_ = 	snop  }
0x7: {  	_ = 	snop  }
__scs_overlays_trampoline_lowered:
0x8: {  	[smem:$0x3FAE] =	sst s0  }
0x9: {  	[smem:$0x3FAF] =	sst s1  }
0xa: {  	[smem:$0x3FB0] =	sst s2  }
0xb: {  	[smem:$0x3FB1] =	sst s3  }
0xc: {  	[smem:$0x3FB2] =	sst s4  }
0xd: {  	[smem:$0x3FB3] =	sst s5  }
0xe: {  	[smem:$0x3FB4] =	sst s6  }
0xf: {  	[smem:$0x3FB5] =	sst s7  }
0x10: {  	[smem:$0x3FB6] =	sst s8  }
0x11: {  	[smem:$0x3FB7] =	sst s9;
	s0 =	simm.s32 @!p0 $0x0  }
0x12: {  	s1 =	sld [smem:$0x3F9D];
	s0 =	simm.s32 @p0 $0x1  }
0x13: {  	[smem:$0x3FB8] =	sst s0;
	s0 =	simm.s32 @!p1 $0x0  }
0x14: {  	s2 =	sld [smem:$0x3F9C];
	s0 =	simm.s32 @p1 $0x1  }
0x15: {  	[smem:$0x3FB9] =	sst s0;
	s0 =	simm.s32 @!p2 $0x0  }
0x16: {  	s3 =	sld [smem:$0x3FDB];
	s0 =	simm.s32 @p2 $0x1  }
0x17: {  	s4 =	simm.s32 $0x1BF5;
	[smem:$0x3FBB] =	sst s0  }
0x18: {  	s0 =	sld [smem:$0x3F9E];
	_ =	swait.ge [sflag:s4], $0x0  }
0x19: {  	s7 =	sld [smem:$0x3F9F]  }
0x1a: {  	s8 =	sadd.s32 $0xFFFFE003, lr  }
0x1b: {  	s9 =	sadd.s32 $0xFFFFFEF7, lr;
	s5 =	simm.s32 $0xFFFFFFFF;
	p2 =	slt.u32 s8, $0xFFFFF086  }
0x1c: {  	p1 =	slt.u32 s9, $0xF7A;
	s5 =	simm.s32 @!p2 $0x0  }
0x1d: {  	s5 =	simm.s32 @p1 $0x1;
	p0 =	seq.s32 s7, s2  }
0x1e: {  	s7 =	smul.u32 @!p0 $0xF7A, s2;
	p2 =	seq.s32 @!p0 s5, $0x0  }
0x1f: {  	s9 =	smul.u32 $0xF7A, s1;
	s8 =	simm.s32 @!p0 $0x1BF5;
	p2 =	por !p2, p0  }
0x20: {  	[sflag:s8] =	ssyncset.s32 @!p0 $0xFFFFF086;
	s6 =	sadd.s32 @!p0 s3, s7;
	s7 =	simm.s32 @!p0 $0x108  }
0x21: {  	s3 =	sadd.s32 s3, s9;
	s6 =	sadd.s32 @!p0 $0x88, s6;
	s7 =	simm.s32 @p2 $0x1082  }
0x22: {  	[simem:s7], [sflag:s8] =	dma.local @!p0 [hbm:s6], $0xF7A  }
0x23: {  	s9 =	sor.u32 $0xD0000000, s2;
	s6 =	simm.s32 $0x108;
	_ =	swait.ge @!p0 [sflag:s8], $0x0  }
0x24: {  	s3 =	sadd.s32 $0x88, s3;
	s6 =	simm.s32 @!p1 $0x1082;
	[sflag:s4] =	ssyncset.s32 $0xFFFFF086  }
0x25: {  	[simem:s6], [sflag:s4] =	dma.local [hbm:s3], $0xF7A  }
0x26: {  	[smem:$0x3F9F] =	sst s1;
	(tag) =	ssettag s2;
	_ =	strace s9  }
0x27: {  	s1 =	sld [smem:$0x3FAF]  }
0x28: {  	s2 =	sld [smem:$0x3FB0]  }
0x29: {  	s4 =	sld [smem:$0x3FB2]  }
0x2a: {  	p0 =	seq.s32 s5, $0x0;
	s5 =	sld [smem:$0x3FB3]  }
0x2b: {  	s6 =	sld [smem:$0x3FB4]  }
0x2c: {  	s7 =	sld [smem:$0x3FB5]  }
0x2d: {  	s3 =	simm.s32 $0x108;
	s8 =	sld [smem:$0x3FB6]  }
0x2e: {  	s3 =	simm.s32 @!p0 $0x1082;
	s9 =	sld [smem:$0x3FB7]  }
0x2f: {  	lr =	sadd.s32 s0, s3;
	s0 =	sld [smem:$0x3FAE]  }
0x30: {  	s3 =	sld [smem:$0x3FB1]  }
0x31: {  	[smem:$0x3FBA] =	sst s10  }
0x32: {  	s10 =	sld [smem:$0x3FB8];
	_ =	sdelay $0x3  }
0x33: {  	p0 =	seq.s32 s10, $0x1;
	s10 =	sld [smem:$0x3FBA];
	_ =	sdelay $0x3  }
0x34: {  	[smem:$0x3FBA] =	sst s10  }
0x35: {  	s10 =	sld [smem:$0x3FB9];
	_ =	sdelay $0x3  }
0x36: {  	p1 =	seq.s32 s10, $0x1;
	s10 =	sld [smem:$0x3FBA];
	_ =	sdelay $0x3  }
0x37: {  	[smem:$0x3FBA] =	sst s10  }
0x38: {  	s10 =	sld [smem:$0x3FBB]  }
0x39: {  	_ = 	snop;
	(pc) =	sbr.ind lr, $3  }
0x3a: {  	_ = 	snop  }
0x3b: {  	_ = 	snop  }
0x3c: {  	p2 =	seq.s32 s10, $0x1;
	s10 =	sld [smem:$0x3FBA]  }
0x3d: {  	_ =	shalt  }
0x3e: {  	_ =	shalt  }
0x3f: {  	_ =	shalt  }
0x40: {  	_ =	shalt  }
0x41: {  	_ =	shalt  }
0x42: {  	_ =	shalt  }
0x43: {  	_ =	shalt  }
0x44: {  	_ =	shalt  }
0x45: {  	_ =	shalt  }
0x46: {  	_ =	shalt  }
0x47: {  	_ =	shalt  }
0x48: {  	_ =	shalt  }
0x49: {  	_ =	shalt  }
0x4a: {  	_ =	shalt  }
0x4b: {  	_ =	shalt  }
0x4c: {  	_ =	shalt  }
0x4d: {  	_ =	shalt  }
0x4e: {  	_ =	shalt  }
0x4f: {  	_ =	shalt  }
0x50: {  	_ =	shalt  }
0x51: {  	_ =	shalt  }
0x52: {  	_ =	shalt  }
0x53: {  	_ =	shalt  }
0x54: {  	_ =	shalt  }
0x55: {  	_ =	shalt  }
0x56: {  	_ =	shalt  }
0x57: {  	_ =	shalt  }
0x58: {  	_ =	shalt  }
0x59: {  	_ =	shalt  }
0x5a: {  	_ =	shalt  }
0x5b: {  	_ =	shalt  }
0x5c: {  	_ =	shalt  }
0x5d: {  	_ =	shalt  }
0x5e: {  	_ =	shalt  }
0x5f: {  	_ =	shalt  }
0x60: {  	_ =	shalt  }
0x61: {  	_ =	shalt  }
0x62: {  	_ =	shalt  }
0x63: {  	_ =	shalt  }
0x64: {  	_ =	shalt  }
0x65: {  	_ =	shalt  }
0x66: {  	_ =	shalt  }
0x67: {  	_ =	shalt  }
0x68: {  	_ =	shalt  }
0x69: {  	_ =	shalt  }
0x6a: {  	_ =	shalt  }
0x6b: {  	_ =	shalt  }
0x6c: {  	_ =	shalt  }
0x6d: {  	_ =	shalt  }
0x6e: {  	_ =	shalt  }
0x6f: {  	_ =	shalt  }
0x70: {  	_ =	shalt  }
0x71: {  	_ =	shalt  }
0x72: {  	_ =	shalt  }
0x73: {  	_ =	shalt  }
0x74: {  	_ =	shalt  }
0x75: {  	_ =	shalt  }
0x76: {  	_ =	shalt  }
0x77: {  	_ =	shalt  }
0x78: {  	_ =	shalt  }
0x79: {  	_ =	shalt  }
0x7a: {  	_ =	shalt  }
0x7b: {  	_ =	shalt  }
0x7c: {  	_ =	shalt  }
0x7d: {  	_ =	shalt  }
0x7e: {  	_ =	shalt  }
0x7f: {  	_ =	shalt  }
0x80: {  	_ =	shalt  }
0x81: {  	_ =	shalt  }
0x82: {  	_ =	shalt  }
0x83: {  	_ =	shalt  }
0x84: {  	_ =	shalt  }
0x85: {  	_ =	shalt  }
0x86: {  	_ =	shalt  }
0x87: {  	_ =	shalt  }
.Lfunc_end0:
.L_simem_size_0:
called_computation_lowered:
.L_overlay_start_0:
0x88: {  	s2 =	sld [smem:$0x3FD9]  }
0x89: {  	s3 =	sld [smem:$0x3FFE];
	_ =	sdelay $0x1  }
0x8a: {  	s1 =	srdreg.scid  }
0x8b: {  	s0 =	sand.u32 $0x1, s1  }
0x8c: {  	s18 =	sshll.u32 s0, $0xA;
	s2 =	sadd.s32 s3, s2  }
0x8d: {  	s2 =	sadd.s32 s2, s18  }
0x8e: {  	[smem:$0x3FC6] =	sst s2  }
0x8f: {  	_ = 	snop  }
0x90: {  	s2 =	sld [smem:$0x3FC9]  }
0x91: {  	s19 =	sld [smem:$0x3FC8]  }
0x92: {  	s4 =	sld [smem:$0x3FD0];
	(tm) =	ssettm $0x1  }
0x93: {  	s5 =	sld [smem:$0x3FFB];
	_ =	sdelay $0x3  }
0x94: {  	_ =	strace s5  }
0x95: {  	s5 =	sld [smem:$0x3FFC];
	_ =	sdelay $0x3  }
0x96: {  	_ =	strace s5  }
0x97: {  	s5 =	sld [smem:$0x3FFD];
	_ =	sdelay $0x3  }
0x98: {  	_ =	strace s5  }
0x99: {  	_ =	strace $0x8FFFFFFF  }
0x9a: {  	s20 =	sld [smem:$0x3FDB];
	_ =	sdelay $0x1  }
0x9b: {  	s6 =	simm.s32 $_scs_section_size  }
0x9c: {  	s7 =	simm.s32 $_size__tile_overlayer_lowered;
	s8 =	simm.s32 $_tile_overlayer_lowered  }
0x9d: {  	s23 =	simm.s32 $0x1BFF;
	s22 =	sshll.u32 s8, $0x1;
	s5 =	sadd.s32 s6, s20  }
0x9e: {  	s9 =	simm.s32 $0x0;
	s21 =	sshll.u32 s7, $0x1;
	s7 =	sadd.s32 s22, s5  }
0x9f: {  	[timem:s9], [sflag:s23] =	dma.local [hbm:s7], s21  }
0xa0: {  	_ =	swait.ge [sflag:s23], s21  }
0xa1: {  	s6 =	ssub.s32 $0x0, s21;
	[sflag:s23] =	ssyncset.done $0x0  }
0xa2: {  	[sflag:s23] =	ssyncadd.s32 s6;
	_ =	sdelay $0x1  }
0xa3: {  	s24 =	simm.s32 $0x1B8B  }
0xa4: {  	_ =	swait.ge [sflag:s24], $0x1  }
0xa5: {  	[sflag:s24] =	ssyncset.done $0x0  }
0xa6: {  	s25 =	simm.s32 $0x1B8E;
	[sflag:s24] =	ssyncadd.s32 $0xFFFFFFFF  }
0xa7: {  	s26 =	simm.s32 $execute0_lowered;
	[smem:$0x3FD2] =	sst s25  }
0xa8: {  	s6 =	sshll.u32 s26, $0x1;
	_ =	strace $0x80000046;
	[dreg:$0x1] =	wrdreg $0xFFFFFFFF  }
0xa9: {  	s28 =	simm.s32 $_size_execute0_lowered;
	s5 =	sadd.s32 s5, s6;
	[dreg:$0x0] =	wrdreg $0x0  }
0xaa: {  	s6 =	sshll.u32 s28, $0x1;
	[dreg:$0x2] =	wrdreg s5  }
0xab: {  	[dreg:$0x3] =	wrdreg s6  }
0xac: {  	[dreg:$0x4] =	wrdreg $0xC0  }
0xad: {  	_ =	task [dreg:s9], $0x5FFFF  }
0xae: {  	[dreg:$0x1] =	wrdreg $0xFFFFFFFF  }
0xaf: {  	[dreg:$0x0] =	wrdreg $0x60  }
0xb0: {  	[dreg:$0x2] =	wrdreg s19  }
0xb1: {  	[dreg:$0x3] =	wrdreg s2  }
0xb2: {  	[dreg:$0x4] =	wrdreg s4  }
0xb3: {  	[dreg:$0x5] =	wrdreg $0x9  }
0xb4: {  	_ =	task.clear_ibuf [dreg:s9], $0x6FFFF;
	_ =	strace $0x90000046  }
0xb5: {  	s29 =	simm.s32 $0x9;
	_ =	strace $0x80000048  }
0xb6: {  	_ =	swait.ge [sflag:s29], $0x1  }
0xb7: {  	[sflag:s29] =	ssyncadd.s32 $0xFFFFFFFF  }
0xb8: {  	_ =	strace $0x90000048  }
0xb9: {  	_ =	sfence  }
0xba: {  	s30 =	sld [smem:$0x0];
	_ =	sdelay $0x2  }
0xbb: {  	s31 =	sshll.u32 s1, $0xD;
	s1 =	sshrl.u32 s1, $0x2  }
0xbc: {  	s3 =	sand.u32 $0x4000, s31;
	s1 =	sadd.s32 s1, s30  }
0xbd: {  	s0 =	sor.u32 s3, s0;
	s1 =	sshll.u32 s1, $0x11  }
0xbe: {  	s0 =	sor.u32 s1, s0  }
0xbf: {  	s0 =	sadd.s32 $0x8F2B, s0  }
0xc0: {  	[sflag:s0] =	ssyncadd.remote.s32 $0x1  }
0xc1: {  	_ =	sfence.sel $0xFFFF  }
0xc2: {  	[dreg:$0x0] =	wrdreg $0xFFFFFFFF;
	(pc) =	sbr.abs _section_cstart, $3  }
0xc3: {  	[dreg:$0x1] =	wrdreg $0xFFFFFFFF  }
0xc4: {  	_ =	task.clear_ibuf [dreg:s9], $0x2FFFF;
	_ =	strace $0x9FFFFFFF  }
0xc5: {  	(tm) =	ssettm $0x7FFFFFFF  }
tec
execute0_lowered:
.L_overlay_start_1:
0x0: {  	(tag) =	ssettag $0x1  }
0x1: {  	s1 =	rddreg [dreg:$0x0]  }
0x2: {  	s4 =	rddreg [dreg:$0x1]  }
0x3: {  	s5 =	rddreg [dreg:$0x2];
	s3 =	simm.s32 $0x0  }
0x4: {  	s15 =	simm.s32 $0x80;
	[smem:$0x7FF] =	sst s3  }
0x5: {  	s16 =	simm.s32 $0x100;
	_ =	strace $0x80000047;
	[dreg:$0xc] =	wrdreg s15  }
0x6: {  	s17 =	simm.s32 $0x180;
	[dreg:$0xd] =	wrdreg s16  }
0x7: {  	s18 =	simm.s32 $0x8A00;
	[dreg:$0xe] =	wrdreg s17  }
0x8: {  	s19 =	simm.s32 $0x9200;
	[dreg:$0xf] =	wrdreg s18  }
0x9: {  	s20 =	simm.s32 $0x9A00;
	[dreg:$0x10] =	wrdreg s19  }
0xa: {  	s21 =	simm.s32 $0xA200;
	[dreg:$0x11] =	wrdreg s20  }
0xb: {  	s22 =	simm.s32 $0xAA00;
	[dreg:$0x12] =	wrdreg s21  }
0xc: {  	s23 =	simm.s32 $0xB200;
	[dreg:$0x13] =	wrdreg s22  }
0xd: {  	s24 =	simm.s32 $0xBA00;
	[dreg:$0x14] =	wrdreg s23  }
0xe: {  	s2 =	srdreg.scid;
	[dreg:$0x15] =	wrdreg s24;
	s15 =	simm.s32 $0x12200  }
0xf: {  	s0 =	stileid.u32;
	s16 =	simm.s32 $0x12A00;
	[smem:$0x7F2] =	sst s15  }
0x10: {  	s28 =	simm.s32 $0x4;
	s17 =	simm.s32 $0x13200;
	[smem:$0x7F3] =	sst s16  }
0x11: {  	s30 =	simm.s32 $0x3;
	s18 =	simm.s32 $0x13A00;
	[smem:$0x7F4] =	sst s17  }
0x12: {  	s31 =	simm.s32 $0x5;
	s19 =	simm.s32 $0x14200;
	[smem:$0x7F5] =	sst s18  }
0x13: {  	s29 =	simm.s32 $0x10200;
	s20 =	simm.s32 $0x14A00;
	[smem:$0x7F6] =	sst s19  }
0x14: {  	s2 =	sand.u32 $0x1, s2;
	s21 =	simm.s32 $0x15200;
	[smem:$0x7F7] =	sst s20  }
0x15: {  	s6 =	sshll.u32 s0, $0x8;
	s22 =	simm.s32 $0x15A00;
	[smem:$0x7F8] =	sst s21  }
0x16: {  	s7 =	sshll.u32 s2, $0x7;
	s23 =	simm.s32 $0x16200;
	[smem:$0x7F9] =	sst s22  }
0x17: {  	s2 =	ssub.s32 $0x2, s2;
	s24 =	simm.s32 $0x16A00;
	[smem:$0x7FA] =	sst s23  }
0x18: {  	s6 =	sor.u32 s7, s6;
	[smem:$0x7FB] =	sst s24;
	s15 =	simm.s32 $0x2A00  }
0x19: {  	s16 =	simm.s32 $0x3200;
	s17 =	simm.s32 $0x3A00;
	s18 =	simm.s32 $0x4200  }
0x1a: {  	s19 =	simm.s32 $0x4A00;
	s20 =	simm.s32 $0x5200;
	s7 =	sshrl.u32 s6, $0x3  }
0x1b: {  	s8 =	sor.u32 $0x20, s6;
	s9 =	sor.u32 $0x40, s6;
	s11 =	sor.u32 $0x60, s6  }
0x1c: {  	s6 =	sshll.u32 s6, $0x7;
	s7 =	sadd.s32 s4, s7;
	s25 =	sshrl.u32 s8, $0x3  }
0x1d: {  	s0 =	sshrl.u32 s11, $0x3;
	s6 =	sadd.s32 s5, s6;
	[dreg:$0x4] =	wrdreg s7  }
0x1e: {  	s13 =	sshll.u32 s11, $0x7;
	s11 =	simm.s32 $0xFA00;
	[dreg:$0x8] =	wrdreg s6  }
0x1f: {  	s10 =	sshrl.u32 s9, $0x3;
	s7 =	sadd.s32 s4, s25;
	[dreg:$0x1d] =	wrdreg s11  }
0x20: {  	s21 =	simm.s32 $0x5A00;
	s26 =	sadd.s32 s4, s10;
	[dreg:$0x5] =	wrdreg s7  }
0x21: {  	s22 =	simm.s32 $0x6200;
	s4 =	sadd.s32 s4, s0;
	[dreg:$0x6] =	wrdreg s26  }
0x22: {  	s23 =	simm.s32 $0x6A00;
	s14 =	sadd.s32 s5, s13;
	[dreg:$0x7] =	wrdreg s4  }
0x23: {  	s24 =	simm.s32 $0x7200;
	s25 =	simm.s32 $0xC200;
	[dreg:$0xb] =	wrdreg s14  }
0x24: {  	s10 =	sshll.u32 s9, $0x7;
	s0 =	simm.s32 $0xCA00;
	[dreg:$0x16] =	wrdreg s25  }
0x25: {  	s6 =	simm.s32 $0xD200;
	s9 =	simm.s32 $0xEA00;
	[dreg:$0x17] =	wrdreg s0  }
0x26: {  	s13 =	simm.s32 $0x11200;
	s7 =	sshll.u32 s8, $0x7;
	[dreg:$0x18] =	wrdreg s6  }
0x27: {  	s12 =	sadd.s32 s5, s10;
	s26 =	sshrl.u32 s2, $0x1;
	[dreg:$0x1b] =	wrdreg s9  }
0x28: {  	s4 =	sadd.s32 $0x100, s1;
	s6 =	sadd.s32 $0x300, s1;
	[dreg:$0x1f] =	wrdreg s13  }
0x29: {  	s10 =	simm.s32 $0xF200;
	s9 =	simm.s32 $0x200;
	[dreg:$0xa] =	wrdreg s12  }
0x2a: {  	s14 =	simm.s32 $0x11A00;
	s25 =	simm.s32 $0x17200;
	[dreg:$0x1c] =	wrdreg s10  }
0x2b: {  	s13 =	simm.s32 $0x1A00;
	s8 =	sadd.s32 s5, s7;
	[smem:$0x7F1] =	sst s14  }
0x2c: {  	s2 =	ssub.s32 s2, s26;
	s7 =	simm.s32 $0xDA00;
	[smem:$0x7FC] =	sst s25  }
0x2d: {  	s5 =	sadd.s32 $0x200, s1;
	s12 =	simm.s32 $0x10A00;
	[dreg:$0x9] =	wrdreg s8  }
0x2e: {  	s26 =	simm.s32 $0x17A00;
	s14 =	simm.s32 $0x2200;
	[dreg:$0x19] =	wrdreg s7  }
0x2f: {  	v2 =	vlaneseq.u32;
	s25 =	simm.s32 $0x7A00;
	s8 =	simm.s32 $0xE200;
	[dreg:$0x1e] =	wrdreg s12  }
0x30: {  	vm0 =	vmmov $0xffff;
	v1 =	vshrl.u32 v2, $0x3;
	s7 =	smax.u32 s2, $0x1;
	[smem:$0x7FD] =	sst s26;
	s2 =	simm.s32 $0x6  }
0x31: {  	v0 =	vand.u32 $0x7, v2;
	v2 =	vor.u32 $0x8, v2;
	v1 =	vmul.u32 $0x8, v1;
	s26 =	simm.s32 $0x8200;
	[dreg:$0x1a] =	wrdreg s8;
	s8 =	simm.s32 $0x1  }
.LBB2_1:
0x32: {  	s0 =	rddreg [dreg:$0x4]  }
0x33: {  	s10 =	rddreg [dreg:$0x5]  }
0x34: {  	s11 =	rddreg [dreg:$0xc]  }
0x35: {  	s12 =	rddreg [dreg:$0xe]  }
0x36: {  	[tilespmem:s3], [sflag:$0x1] =	stream.linear.gather [hbm4b:s0+s3], $0x20, $0x38;
	[tilespmem:$0x18200] =	vst v63  }
0x37: {  	s0 =	rddreg [dreg:$0x6]  }
0x38: {  	[tilespmem:s11], [sflag:$0x1] =	stream.linear.gather [hbm4b:s10+s3], $0x20, $0x38;
	[tilespmem:$0x18200] =	vst v63  }
0x39: {  	s10 =	rddreg [dreg:$0xd]  }
0x3a: {  	[tilespmem:s10], [sflag:$0x1] =	stream.linear.gather [hbm4b:s0+s3], $0x20, $0x38;
	[tilespmem:$0x18200] =	vst v63  }
0x3b: {  	s11 =	rddreg [dreg:$0x7]  }
0x3c: {  	[tilespmem:s12], [sflag:$0x1] =	stream.linear.gather [hbm4b:s11+s3], $0x20, $0x38;
	[tilespmem:$0x18200] =	vst v63  }
0x3d: {  	_ =	swait.ge [sflag:s8], $0x20  }
0x3e: {  	[sflag:s8] =	ssyncset.done $0x0  }
0x3f: {  	[sflag:s8] =	ssyncadd.s32 $0xFFFFFFE0  }
0x40: {  	_ =	swait.ge [sflag:s8], $0x20  }
0x41: {  	[sflag:s8] =	ssyncset.done $0x0  }
0x42: {  	[sflag:s8] =	ssyncadd.s32 $0xFFFFFFE0  }
0x43: {  	_ =	swait.ge [sflag:s8], $0x20  }
0x44: {  	[sflag:s8] =	ssyncset.done $0x0  }
0x45: {  	[sflag:s8] =	ssyncadd.s32 $0xFFFFFFE0  }
0x46: {  	_ =	swait.ge [sflag:s8], $0x20  }
0x47: {  	[sflag:s8] =	ssyncset.done $0x0  }
0x48: {  	[sflag:s8] =	ssyncadd.s32 $0xFFFFFFE0  }
0x49: {  	v3 =	vld [tilespmem:$0x0];
	_ =	sdelay $0x4  }
0x4a: {  	v4 =	vshll.u32 v3, $0x3  }
0x4b: {  	v3 =	vand.u32 $0x7, v3;
	v4 =	vand.u32 $0xFFFFFFC0, v4  }
0x4c: {  	v3 =	vor.u32 v3, v4  }
0x4d: {  	v4 =	vperm.xlane v3, v0;
	_ =	sdelay $0x1  }
0x4e: {  	v4 =	vadd.s32 v1, v4;
	_ =	sdelay $0x4  }
0x4f: {  	[tilespmem:s9], [sflag:$0x1] =	stream.indirect_vreg.gather [hbm4b:s1+s3], $0x80, v4, vm0, $0xb8;
	[tilespmem:$0x18200] =	vst v63  }
0x50: {  	s11 =	simm.s32 $0xA00;
	v3 =	vperm.xlane v3, v2  }
0x51: {  	[tilespmem:s11], [sflag:$0x1] =	stream.indirect_vreg.gather [hbm4b:s4+s3], $0x80, v4, vm0, $0xb8;
	[tilespmem:$0x18200] =	vst v63  }
0x52: {  	s12 =	simm.s32 $0x1200;
	v3 =	vadd.s32 v1, v3  }
0x53: {  	[tilespmem:s12], [sflag:$0x1] =	stream.indirect_vreg.gather [hbm4b:s5+s3], $0x80, v4, vm0, $0xb8;
	[tilespmem:$0x18200] =	vst v63  }
0x54: {  	_ = 	snop  }
0x55: {  	[tilespmem:s13], [sflag:$0x1] =	stream.indirect_vreg.gather [hbm4b:s6+s3], $0x80, v4, vm0, $0xb8;
	[tilespmem:$0x18200] =	vst v63  }
0x56: {  	_ = 	snop  }
0x57: {  	[tilespmem:s14], [sflag:$0x1] =	stream.indirect_vreg.gather [hbm4b:s1+s3], $0x80, v3, vm0, $0xb8;
	[tilespmem:$0x18200] =	vst v63  }
0x58: {  	_ = 	snop  }
0x59: {  	[tilespmem:s15], [sflag:$0x1] =	stream.indirect_vreg.gather [hbm4b:s4+s3], $0x80, v3, vm0, $0xb8;
	[tilespmem:$0x18200] =	vst v63  }
0x5a: {  	_ = 	snop  }
0x5b: {  	[tilespmem:s16], [sflag:$0x1] =	stream.indirect_vreg.gather [hbm4b:s5+s3], $0x80, v3, vm0, $0xb8;
	[tilespmem:$0x18200] =	vst v63  }
0x5c: {  	_ = 	snop  }
0x5d: {  	[tilespmem:s17], [sflag:$0x1] =	stream.indirect_vreg.gather [hbm4b:s6+s3], $0x80, v3, vm0, $0xb8;
	[tilespmem:$0x18200] =	vst v63  }
0x5e: {  	v3 =	vld [tilespmem:$0x10];
	_ =	sdelay $0x4  }
0x5f: {  	v57 =	vshll.u32 v3, $0x3  }
0x60: {  	v3 =	vand.u32 $0x7, v3;
	v4 =	vand.u32 $0xFFFFFFC0, v57  }
0x61: {  	v3 =	vor.u32 v3, v4  }
0x62: {  	v4 =	vperm.xlane v3, v0;
	_ =	sdelay $0x1  }
0x63: {  	v4 =	vadd.s32 v1, v4;
	_ =	sdelay $0x4  }
0x64: {  	[tilespmem:s18], [sflag:$0x1] =	stream.indirect_vreg.gather [hbm4b:s1+s3], $0x80, v4, vm0, $0xb8;
	[tilespmem:$0x18200] =	vst v63  }
0x65: {  	v3 =	vperm.xlane v3, v2  }
0x66: {  	[tilespmem:s19], [sflag:$0x1] =	stream.indirect_vreg.gather [hbm4b:s4+s3], $0x80, v4, vm0, $0xb8;
	[tilespmem:$0x18200] =	vst v63  }
0x67: {  	v3 =	vadd.s32 v1, v3  }
0x68: {  	[tilespmem:s20], [sflag:$0x1] =	stream.indirect_vreg.gather [hbm4b:s5+s3], $0x80, v4, vm0, $0xb8;
	[tilespmem:$0x18200] =	vst v63  }
0x69: {  	_ = 	snop  }
0x6a: {  	[tilespmem:s21], [sflag:$0x1] =	stream.indirect_vreg.gather [hbm4b:s6+s3], $0x80, v4, vm0, $0xb8;
	[tilespmem:$0x18200] =	vst v63  }
0x6b: {  	_ = 	snop  }
0x6c: {  	[tilespmem:s22], [sflag:$0x1] =	stream.indirect_vreg.gather [hbm4b:s1+s3], $0x80, v3, vm0, $0xb8;
	[tilespmem:$0x18200] =	vst v63  }
0x6d: {  	_ = 	snop  }
0x6e: {  	[tilespmem:s23], [sflag:$0x1] =	stream.indirect_vreg.gather [hbm4b:s4+s3], $0x80, v3, vm0, $0xb8;
	[tilespmem:$0x18200] =	vst v63  }
0x6f: {  	_ = 	snop  }
0x70: {  	[tilespmem:s24], [sflag:$0x1] =	stream.indirect_vreg.gather [hbm4b:s5+s3], $0x80, v3, vm0, $0xb8;
	[tilespmem:$0x18200] =	vst v63  }
0x71: {  	_ = 	snop  }
0x72: {  	[tilespmem:s25], [sflag:$0x1] =	stream.indirect_vreg.gather [hbm4b:s6+s3], $0x80, v3, vm0, $0xb8;
	[tilespmem:$0x18200] =	vst v63  }
0x73: {  	v3 =	vld [tilespmem:$0x80];
	_ =	sdelay $0x4  }
0x74: {  	v58 =	vshll.u32 v3, $0x3  }
0x75: {  	v3 =	vand.u32 $0x7, v3;
	v4 =	vand.u32 $0xFFFFFFC0, v58  }
0x76: {  	v3 =	vor.u32 v3, v4  }
0x77: {  	v4 =	vperm.xlane v3, v0;
	_ =	sdelay $0x1  }
0x78: {  	v4 =	vadd.s32 v1, v4;
	_ =	sdelay $0x4  }
0x79: {  	[tilespmem:s26], [sflag:$0x2] =	stream.indirect_vreg.gather [hbm4b:s1+s3], $0x80, v4, vm0, $0xb8;
	[tilespmem:$0x18200] =	vst v63  }
0x7a: {  	s0 =	rddreg [dreg:$0xf];
	v3 =	vperm.xlane v3, v2  }
0x7b: {  	[tilespmem:s0], [sflag:$0x2] =	stream.indirect_vreg.gather [hbm4b:s4+s3], $0x80, v4, vm0, $0xb8;
	[tilespmem:$0x18200] =	vst v63  }
0x7c: {  	s10 =	rddreg [dreg:$0x10];
	v3 =	vadd.s32 v1, v3  }
0x7d: {  	[tilespmem:s10], [sflag:$0x2] =	stream.indirect_vreg.gather [hbm4b:s5+s3], $0x80, v4, vm0, $0xb8;
	[tilespmem:$0x18200] =	vst v63  }
0x7e: {  	s0 =	rddreg [dreg:$0x11]  }
0x7f: {  	[tilespmem:s0], [sflag:$0x2] =	stream.indirect_vreg.gather [hbm4b:s6+s3], $0x80, v4, vm0, $0xb8;
	[tilespmem:$0x18200] =	vst v63  }
0x80: {  	s10 =	rddreg [dreg:$0x12]  }
0x81: {  	[tilespmem:s10], [sflag:$0x2] =	stream.indirect_vreg.gather [hbm4b:s1+s3], $0x80, v3, vm0, $0xb8;
	[tilespmem:$0x18200] =	vst v63  }
0x82: {  	s0 =	rddreg [dreg:$0x13]  }
0x83: {  	[tilespmem:s0], [sflag:$0x2] =	stream.indirect_vreg.gather [hbm4b:s4+s3], $0x80, v3, vm0, $0xb8;
	[tilespmem:$0x18200] =	vst v63  }
0x84: {  	s10 =	rddreg [dreg:$0x14]  }
0x85: {  	[tilespmem:s10], [sflag:$0x2] =	stream.indirect_vreg.gather [hbm4b:s5+s3], $0x80, v3, vm0, $0xb8;
	[tilespmem:$0x18200] =	vst v63  }
0x86: {  	s0 =	rddreg [dreg:$0x15]  }
0x87: {  	[tilespmem:s0], [sflag:$0x2] =	stream.indirect_vreg.gather [hbm4b:s6+s3], $0x80, v3, vm0, $0xb8;
	[tilespmem:$0x18200] =	vst v63  }
0x88: {  	v3 =	vld [tilespmem:$0x90];
	_ =	sdelay $0x4  }
0x89: {  	v59 =	vshll.u32 v3, $0x3  }
0x8a: {  	v3 =	vand.u32 $0x7, v3;
	v4 =	vand.u32 $0xFFFFFFC0, v59  }
0x8b: {  	v3 =	vor.u32 v3, v4  }
0x8c: {  	v4 =	vperm.xlane v3, v0;
	_ =	sdelay $0x1  }
0x8d: {  	v4 =	vadd.s32 v1, v4;
	_ =	sdelay $0x3  }
0x8e: {  	s0 =	rddreg [dreg:$0x16]  }
0x8f: {  	[tilespmem:s0], [sflag:$0x2] =	stream.indirect_vreg.gather [hbm4b:s1+s3], $0x80, v4, vm0, $0xb8;
	[tilespmem:$0x18200] =	vst v63  }
0x90: {  	s10 =	rddreg [dreg:$0x17];
	v3 =	vperm.xlane v3, v2  }
0x91: {  	[tilespmem:s10], [sflag:$0x2] =	stream.indirect_vreg.gather [hbm4b:s4+s3], $0x80, v4, vm0, $0xb8;
	[tilespmem:$0x18200] =	vst v63  }
0x92: {  	v3 =	vadd.s32 v1, v3;
	s0 =	rddreg [dreg:$0x18]  }
0x93: {  	[tilespmem:s0], [sflag:$0x2] =	stream.indirect_vreg.gather [hbm4b:s5+s3], $0x80, v4, vm0, $0xb8;
	[tilespmem:$0x18200] =	vst v63  }
0x94: {  	s10 =	rddreg [dreg:$0x19]  }
0x95: {  	[tilespmem:s10], [sflag:$0x2] =	stream.indirect_vreg.gather [hbm4b:s6+s3], $0x80, v4, vm0, $0xb8;
	[tilespmem:$0x18200] =	vst v63  }
0x96: {  	s0 =	rddreg [dreg:$0x1a]  }
0x97: {  	[tilespmem:s0], [sflag:$0x2] =	stream.indirect_vreg.gather [hbm4b:s1+s3], $0x80, v3, vm0, $0xb8;
	[tilespmem:$0x18200] =	vst v63  }
0x98: {  	s10 =	rddreg [dreg:$0x1b]  }
0x99: {  	[tilespmem:s10], [sflag:$0x2] =	stream.indirect_vreg.gather [hbm4b:s4+s3], $0x80, v3, vm0, $0xb8;
	[tilespmem:$0x18200] =	vst v63  }
0x9a: {  	s0 =	rddreg [dreg:$0x1c]  }
0x9b: {  	[tilespmem:s0], [sflag:$0x2] =	stream.indirect_vreg.gather [hbm4b:s5+s3], $0x80, v3, vm0, $0xb8;
	[tilespmem:$0x18200] =	vst v63  }
0x9c: {  	s10 =	rddreg [dreg:$0x1d]  }
0x9d: {  	[tilespmem:s10], [sflag:$0x2] =	stream.indirect_vreg.gather [hbm4b:s6+s3], $0x80, v3, vm0, $0xb8;
	[tilespmem:$0x18200] =	vst v63  }
0x9e: {  	v3 =	vld [tilespmem:$0x100];
	_ =	sdelay $0x4  }
0x9f: {  	v60 =	vshll.u32 v3, $0x3  }
0xa0: {  	v3 =	vand.u32 $0x7, v3;
	v4 =	vand.u32 $0xFFFFFFC0, v60  }
0xa1: {  	v3 =	vor.u32 v3, v4  }
0xa2: {  	v4 =	vperm.xlane v3, v0;
	_ =	sdelay $0x1  }
0xa3: {  	v4 =	vadd.s32 v1, v4;
	_ =	sdelay $0x3  }
0xa4: {  	s0 =	rddreg [dreg:$0x1e]  }
0xa5: {  	[tilespmem:s29], [sflag:$0x3] =	stream.indirect_vreg.gather [hbm4b:s1+s3], $0x80, v4, vm0, $0xb8;
	[tilespmem:$0x18200] =	vst v63  }
0xa6: {  	s10 =	rddreg [dreg:$0x1f];
	v3 =	vperm.xlane v3, v2  }
0xa7: {  	[tilespmem:s0], [sflag:$0x3] =	stream.indirect_vreg.gather [hbm4b:s4+s3], $0x80, v4, vm0, $0xb8;
	[tilespmem:$0x18200] =	vst v63  }
0xa8: {  	v3 =	vadd.s32 v1, v3;
	s0 =	sld [smem:$0x7F1]  }
0xa9: {  	[tilespmem:s10], [sflag:$0x3] =	stream.indirect_vreg.gather [hbm4b:s5+s3], $0x80, v4, vm0, $0xb8;
	[tilespmem:$0x18200] =	vst v63  }
0xaa: {  	s10 =	sld [smem:$0x7F2]  }
0xab: {  	[tilespmem:s0], [sflag:$0x3] =	stream.indirect_vreg.gather [hbm4b:s6+s3], $0x80, v4, vm0, $0xb8;
	[tilespmem:$0x18200] =	vst v63  }
0xac: {  	s0 =	sld [smem:$0x7F3]  }
0xad: {  	[tilespmem:s10], [sflag:$0x3] =	stream.indirect_vreg.gather [hbm4b:s1+s3], $0x80, v3, vm0, $0xb8;
	[tilespmem:$0x18200] =	vst v63  }
0xae: {  	s10 =	sld [smem:$0x7F4]  }
0xaf: {  	[tilespmem:s0], [sflag:$0x3] =	stream.indirect_vreg.gather [hbm4b:s4+s3], $0x80, v3, vm0, $0xb8;
	[tilespmem:$0x18200] =	vst v63  }
0xb0: {  	s0 =	sld [smem:$0x7F5]  }
0xb1: {  	[tilespmem:s10], [sflag:$0x3] =	stream.indirect_vreg.gather [hbm4b:s5+s3], $0x80, v3, vm0, $0xb8;
	[tilespmem:$0x18200] =	vst v63  }
0xb2: {  	_ = 	snop  }
0xb3: {  	[tilespmem:s0], [sflag:$0x3] =	stream.indirect_vreg.gather [hbm4b:s6+s3], $0x80, v3, vm0, $0xb8;
	[tilespmem:$0x18200] =	vst v63  }
0xb4: {  	v3 =	vld [tilespmem:$0x110];
	_ =	sdelay $0x4  }
0xb5: {  	v61 =	vshll.u32 v3, $0x3  }
0xb6: {  	v3 =	vand.u32 $0x7, v3;
	v4 =	vand.u32 $0xFFFFFFC0, v61  }
0xb7: {  	v3 =	vor.u32 v3, v4  }
0xb8: {  	v4 =	vperm.xlane v3, v0;
	_ =	sdelay $0x1  }
0xb9: {  	v4 =	vadd.s32 v1, v4;
	_ =	sdelay $0x1  }
0xba: {  	s0 =	sld [smem:$0x7F6];
	_ =	sdelay $0x1  }
0xbb: {  	s10 =	sld [smem:$0x7F7]  }
0xbc: {  	[tilespmem:s0], [sflag:$0x3] =	stream.indirect_vreg.gather [hbm4b:s1+s3], $0x80, v4, vm0, $0xb8;
	[tilespmem:$0x18200] =	vst v63  }
0xbd: {  	v3 =	vperm.xlane v3, v2;
	s0 =	sld [smem:$0x7F8]  }
0xbe: {  	[tilespmem:s10], [sflag:$0x3] =	stream.indirect_vreg.gather [hbm4b:s4+s3], $0x80, v4, vm0, $0xb8;
	[tilespmem:$0x18200] =	vst v63  }
0xbf: {  	v3 =	vadd.s32 v1, v3;
	s10 =	sld [smem:$0x7F9]  }
0xc0: {  	[tilespmem:s0], [sflag:$0x3] =	stream.indirect_vreg.gather [hbm4b:s5+s3], $0x80, v4, vm0, $0xb8;
	[tilespmem:$0x18200] =	vst v63  }
0xc1: {  	s0 =	sld [smem:$0x7FA]  }
0xc2: {  	[tilespmem:s10], [sflag:$0x3] =	stream.indirect_vreg.gather [hbm4b:s6+s3], $0x80, v4, vm0, $0xb8;
	[tilespmem:$0x18200] =	vst v63  }
0xc3: {  	s10 =	sld [smem:$0x7FB]  }
0xc4: {  	[tilespmem:s0], [sflag:$0x3] =	stream.indirect_vreg.gather [hbm4b:s1+s3], $0x80, v3, vm0, $0xb8;
	[tilespmem:$0x18200] =	vst v63  }
0xc5: {  	s0 =	sld [smem:$0x7FC]  }
0xc6: {  	[tilespmem:s10], [sflag:$0x3] =	stream.indirect_vreg.gather [hbm4b:s4+s3], $0x80, v3, vm0, $0xb8;
	[tilespmem:$0x18200] =	vst v63  }
0xc7: {  	s10 =	sld [smem:$0x7FD]  }
0xc8: {  	[tilespmem:s0], [sflag:$0x3] =	stream.indirect_vreg.gather [hbm4b:s5+s3], $0x80, v3, vm0, $0xb8;
	[tilespmem:$0x18200] =	vst v63  }
0xc9: {  	_ = 	snop  }
0xca: {  	[tilespmem:s10], [sflag:$0x3] =	stream.indirect_vreg.gather [hbm4b:s6+s3], $0x80, v3, vm0, $0xb8;
	[tilespmem:$0x18200] =	vst v63  }
0xcb: {  	_ =	swait.ge [sflag:s8], $0x8000  }
0xcc: {  	[sflag:s8] =	ssyncset.done $0x0  }
0xcd: {  	s10 =	rddreg [dreg:$0x8];
	[sflag:s8] =	ssyncadd.s32 $0xFFFF8000  }
0xce: {  	[hbm4b:s10+s3] =	stream.linear.scatter [tilespmem:s9], [sflag:$0x4], $0x8000, $0x38;
	[tilespmem:$0x18200] =	vst v63  }
0xcf: {  	_ =	swait.ge [sflag:s28], $0x8000  }
0xd0: {  	[sflag:s28] =	ssyncset.done $0x0  }
0xd1: {  	[sflag:s28] =	ssyncadd.s32 $0xFFFF8000  }
0xd2: {  	v3 =	vld [tilespmem:$0x180];
	_ =	sdelay $0x4  }
0xd3: {  	v62 =	vshll.u32 v3, $0x3  }
0xd4: {  	v3 =	vand.u32 $0x7, v3;
	v4 =	vand.u32 $0xFFFFFFC0, v62  }
0xd5: {  	v3 =	vor.u32 v3, v4  }
0xd6: {  	v4 =	vperm.xlane v3, v0;
	_ =	sdelay $0x1  }
0xd7: {  	v4 =	vadd.s32 v1, v4;
	_ =	sdelay $0x4  }
0xd8: {  	[tilespmem:s9], [sflag:$0x1] =	stream.indirect_vreg.gather [hbm4b:s1+s3], $0x80, v4, vm0, $0xb8;
	[tilespmem:$0x18200] =	vst v63  }
0xd9: {  	v3 =	vperm.xlane v3, v2  }
0xda: {  	[tilespmem:s11], [sflag:$0x1] =	stream.indirect_vreg.gather [hbm4b:s4+s3], $0x80, v4, vm0, $0xb8;
	[tilespmem:$0x18200] =	vst v63  }
0xdb: {  	v3 =	vadd.s32 v1, v3  }
0xdc: {  	[tilespmem:s12], [sflag:$0x1] =	stream.indirect_vreg.gather [hbm4b:s5+s3], $0x80, v4, vm0, $0xb8;
	[tilespmem:$0x18200] =	vst v63  }
0xdd: {  	_ = 	snop  }
0xde: {  	[tilespmem:s13], [sflag:$0x1] =	stream.indirect_vreg.gather [hbm4b:s6+s3], $0x80, v4, vm0, $0xb8;
	[tilespmem:$0x18200] =	vst v63  }
0xdf: {  	_ = 	snop  }
0xe0: {  	[tilespmem:s14], [sflag:$0x1] =	stream.indirect_vreg.gather [hbm4b:s1+s3], $0x80, v3, vm0, $0xb8;
	[tilespmem:$0x18200] =	vst v63  }
0xe1: {  	_ = 	snop  }
0xe2: {  	[tilespmem:s15], [sflag:$0x1] =	stream.indirect_vreg.gather [hbm4b:s4+s3], $0x80, v3, vm0, $0xb8;
	[tilespmem:$0x18200] =	vst v63  }
0xe3: {  	_ = 	snop  }
0xe4: {  	[tilespmem:s16], [sflag:$0x1] =	stream.indirect_vreg.gather [hbm4b:s5+s3], $0x80, v3, vm0, $0xb8;
	[tilespmem:$0x18200] =	vst v63  }
0xe5: {  	_ = 	snop  }
0xe6: {  	[tilespmem:s17], [sflag:$0x1] =	stream.indirect_vreg.gather [hbm4b:s6+s3], $0x80, v3, vm0, $0xb8;
	[tilespmem:$0x18200] =	vst v63  }
0xe7: {  	v3 =	vld [tilespmem:$0x190];
	_ =	sdelay $0x4  }
0xe8: {  	v63 =	vshll.u32 v3, $0x3  }
0xe9: {  	v3 =	vand.u32 $0x7, v3;
	v4 =	vand.u32 $0xFFFFFFC0, v63  }
0xea: {  	v3 =	vor.u32 v3, v4  }
0xeb: {  	v4 =	vperm.xlane v3, v0;
	_ =	sdelay $0x1  }
0xec: {  	v4 =	vadd.s32 v1, v4;
	_ =	sdelay $0x4  }
0xed: {  	[tilespmem:s18], [sflag:$0x1] =	stream.indirect_vreg.gather [hbm4b:s1+s3], $0x80, v4, vm0, $0xb8;
	[tilespmem:$0x18200] =	vst v63  }
0xee: {  	v3 =	vperm.xlane v3, v2  }
0xef: {  	[tilespmem:s19], [sflag:$0x1] =	stream.indirect_vreg.gather [hbm4b:s4+s3], $0x80, v4, vm0, $0xb8;
	[tilespmem:$0x18200] =	vst v63  }
0xf0: {  	v3 =	vadd.s32 v1, v3  }
0xf1: {  	[tilespmem:s20], [sflag:$0x1] =	stream.indirect_vreg.gather [hbm4b:s5+s3], $0x80, v4, vm0, $0xb8;
	[tilespmem:$0x18200] =	vst v63  }
0xf2: {  	_ = 	snop  }
0xf3: {  	[tilespmem:s21], [sflag:$0x1] =	stream.indirect_vreg.gather [hbm4b:s6+s3], $0x80, v4, vm0, $0xb8;
	[tilespmem:$0x18200] =	vst v63  }
0xf4: {  	_ = 	snop  }
0xf5: {  	[tilespmem:s22], [sflag:$0x1] =	stream.indirect_vreg.gather [hbm4b:s1+s3], $0x80, v3, vm0, $0xb8;
	[tilespmem:$0x18200] =	vst v63  }
0xf6: {  	_ = 	snop  }
0xf7: {  	[tilespmem:s23], [sflag:$0x1] =	stream.indirect_vreg.gather [hbm4b:s4+s3], $0x80, v3, vm0, $0xb8;
	[tilespmem:$0x18200] =	vst v63  }
0xf8: {  	_ = 	snop  }
0xf9: {  	[tilespmem:s24], [sflag:$0x1] =	stream.indirect_vreg.gather [hbm4b:s5+s3], $0x80, v3, vm0, $0xb8;
	[tilespmem:$0x18200] =	vst v63  }
0xfa: {  	s11 =	simm.s32 $0x2  }
0xfb: {  	[tilespmem:s25], [sflag:$0x1] =	stream.indirect_vreg.gather [hbm4b:s6+s3], $0x80, v3, vm0, $0xb8;
	[tilespmem:$0x18200] =	vst v63  }
0xfc: {  	_ =	swait.ge [sflag:s11], $0x8000  }
0xfd: {  	[sflag:s11] =	ssyncset.done $0x0  }
0xfe: {  	s12 =	rddreg [dreg:$0x9];
	[sflag:s11] =	ssyncadd.s32 $0xFFFF8000  }
0xff: {  	[hbm4b:s12+s3] =	stream.linear.scatter [tilespmem:s26], [sflag:$0x5], $0x8000, $0x38;
	[tilespmem:$0x18200] =	vst v63  }
0x100: {  	_ =	swait.ge [sflag:s30], $0x8000  }
0x101: {  	[sflag:s30] =	ssyncset.done $0x0  }
0x102: {  	s11 =	rddreg [dreg:$0xa];
	[sflag:s30] =	ssyncadd.s32 $0xFFFF8000  }
0x103: {  	[hbm4b:s11+s3] =	stream.linear.scatter [tilespmem:s29], [sflag:$0x6], $0x8000, $0x38;
	[tilespmem:$0x18200] =	vst v63  }
0x104: {  	_ =	swait.ge [sflag:s8], $0x8000  }
0x105: {  	[sflag:s8] =	ssyncset.done $0x0  }
0x106: {  	s12 =	rddreg [dreg:$0xb];
	[sflag:s8] =	ssyncadd.s32 $0xFFFF8000  }
0x107: {  	[hbm4b:s12+s3] =	stream.linear.scatter [tilespmem:s9], [sflag:$0x4], $0x8000, $0x38;
	[tilespmem:$0x18200] =	vst v63  }
0x108: {  	_ =	swait.ge [sflag:s31], $0x8000  }
0x109: {  	[sflag:s31] =	ssyncset.done $0x0  }
0x10a: {  	[sflag:s31] =	ssyncadd.s32 $0xFFFF8000  }
0x10b: {  	p0 =	sne.s32 s7, $0x1;
	_ =	swait.ge [sflag:s2], $0x8000  }
.Ltmp0:
0x10c: {  	[sflag:s2] =	ssyncset.done $0x0;
	(pc) =	sbr.rel @p0 .LBB2_1-.Ltmp0, $4  }
0x10d: {  	[sflag:s2] =	ssyncadd.s32 $0xFFFF8000  }
0x10e: {  	_ =	swait.ge [sflag:s28], $0x8000  }
0x10f: {  	[sflag:s28] =	ssyncset.done $0x0  }
0x110: {  	s7 =	sadd.s32 $0xFFFFFFFF, s7;
	[sflag:s28] =	ssyncadd.s32 $0xFFFF8000  }
0x111: {  	_ =	sfence.sel $0x180000  }
0x112: {  	[bflag:$0x0] =	sbarrier.arrive $0xFFFF  }
0x113: {  	_ =	strace $0x90000047  }
0x114: {  	s0 =	stileid.u32;
	[bflag:$0x2] =	sbarrier.arrive $0xFFFF  }
0x115: {  	p0 =	sne.s32 s0, $0x0;
	s0 =	rddreg [dreg:$0x3]  }
0x116: {  	s0 =	sadd.s32 @!p0 $0x100000, s0  }
0x117: {  	[sflag:s0] =	ssyncadd.tile.s32 @!p0 $0x1;
	_ =	shalt  }
.Lfunc_end2:
_tile_overlayer_lowered:
.L_overlay_start_2:
0x118: {  	(tag) =	ssettag $0x2  }
0x119: {  	s0 =	rddreg [dreg:$0x0];
	s2 =	stileid.u32  }
0x11a: {  	s1 =	rddreg [dreg:$0x1];
	p0 =	sne.s32 s2, $0x0  }
0x11b: {  	s3 =	rddreg [dreg:$0x2];
	[bflag:$0x3] =	sbarrier.arrive $0xFFFF;
	s2 =	simm.s32 @!p0 $0x1C07  }
0x11c: {  	[timem:s3], [sflag:s2] =	dma.local @!p0 [hbm:s0], s1  }
0x11d: {  	s0 =	simm.s32 @!p0 $0x7  }
0x11e: {  	_ =	swait.ge @!p0 [sflag:s0], s1  }
0x11f: {  	s1 =	ssub.s32 @!p0 $0x0, s1;
	[sflag:s0] =	ssyncset.done @!p0 $0x0  }
0x120: {  	[sflag:s0] =	ssyncadd.s32 @!p0 s1  }
0x121: {  	[bflag:$0x3] =	sbarrier.arrive $0xFFFF  }
0x122: {  	_ =	shalt  }

</sc_bundles>
